<compile_context>
chip_gen: v7x
topology: tpu7x:2x2x1
jax: 0.10.2.dev20260603
libtpu: 0.0.44.dev20260713+nightly
codegen_flags: <defaults>
</compile_context>

<pallas_src>
import functools

import jax
import jax.numpy as jnp
from jax import lax
from jax.experimental import pallas as pl
from jax.experimental.pallas import tpu as pltpu
from jax.experimental.pallas import tpu_sc as plsc

N = 10000
E = 320000
D = 128
BN_EPS = 1e-5

NC = 2
NS = 16
NW = NC * NS
EPW = E // NW
CH = 125
NCH = EPW // CH
SW = 624
TAIL = N - NS * SW

_mesh = plsc.VectorSubcoreMesh(core_axis_name="c", subcore_axis_name="s")


@functools.partial(
    pl.kernel,
    out_type=jax.ShapeDtypeStruct((NC, N, D), jnp.float32),
    mesh=_mesh,
    scratch_types=[
        pltpu.VMEM((2, CH), jnp.int32),
        pltpu.VMEM((2, CH), jnp.int32),
        pltpu.VMEM((CH, D), jnp.float32),
        pltpu.VMEM((CH, D), jnp.float32),
        pltpu.VMEM_SHARED((N, D), jnp.float32),
        pltpu.SemaphoreType.DMA,
        pltpu.SemaphoreType.DMA,
        pltpu.SemaphoreType.DMA,
        pltpu.SemaphoreType.DMA,
    ],
)
def _sc_agg(x_hbm, eidx_hbm, out_hbm, i0, i1, g0, g1, acc,
            isem0, isem1, gsem0, gsem1):
    c = lax.axis_index("c")
    s = lax.axis_index("s")
    wid = s * NC + c
    ib = (i0, i1)
    gb = (g0, g1)
    isem = (isem0, isem1)
    gsem = (gsem0, gsem1)

    pltpu.sync_copy(x_hbm.at[pl.ds(s * SW, SW)], acc.at[pl.ds(s * SW, SW)])

    @pl.when(s == NS - 1)
    def _init_tail():
        pltpu.sync_copy(x_hbm.at[pl.ds(NS * SW, TAIL)],
                        acc.at[pl.ds(NS * SW, TAIL)])

    plsc.subcore_barrier()

    pltpu.async_copy(eidx_hbm.at[wid, 0], i0, isem0).wait()
    pltpu.async_copy(eidx_hbm.at[wid, 1], i1, isem1)
    pltpu.async_copy(x_hbm.at[i0.at[0]], g0, gsem0)

    def _half_step(j, b, fire_idx):
        nb = 1 - b
        pltpu.make_async_copy(x_hbm.at[ib[b].at[0]], gb[b], gsem[b]).wait()
        pltpu.make_async_copy(eidx_hbm.at[wid, j], ib[nb], isem[nb]).wait()
        pltpu.async_copy(x_hbm.at[ib[nb].at[0]], gb[nb], gsem[nb])
        pltpu.sync_copy(gb[b], acc.at[ib[b].at[1]], add=True)
        if fire_idx:
            pltpu.async_copy(eidx_hbm.at[wid, j + 2], ib[b], isem[b])

    def _pair(i, _):
        j = i * 2
        _half_step(j, 0, True)
        _half_step(j + 1, 1, True)
        return 0

    lax.fori_loop(0, NCH // 2 - 1, _pair, 0)
    _half_step(NCH - 2, 0, False)
    pltpu.make_async_copy(x_hbm.at[i1.at[0]], g1, gsem1).wait()
    pltpu.sync_copy(g1, acc.at[i1.at[1]], add=True)

    plsc.subcore_barrier()
    pltpu.sync_copy(acc.at[pl.ds(s * SW, SW)],
                    out_hbm.at[c].at[pl.ds(s * SW, SW)])

    @pl.when(s == NS - 1)
    def _write_tail():
        pltpu.sync_copy(acc.at[pl.ds(NS * SW, TAIL)],
                        out_hbm.at[c].at[pl.ds(NS * SW, TAIL)])


def _mlp_body(x_ref, p_ref, w1_ref, b1_ref, g_ref, be_ref, w2_ref, b2_ref,
              o_ref):
    xu = p_ref[0] + p_ref[1] - x_ref[...]
    h = lax.dot_general(xu, w1_ref[...], (((1,), (1,)), ((), ())),
                        preferred_element_type=jnp.float32)
    h = h + b1_ref[...]
    mean = jnp.mean(h, axis=0, keepdims=True)
    d = h - mean
    var = jnp.mean(d * d, axis=0, keepdims=True)
    h = g_ref[...] * d * lax.rsqrt(var + BN_EPS) + be_ref[...]
    h = jnp.maximum(h, 0.0)
    o_ref[...] = lax.dot_general(h, w2_ref[...], (((1,), (1,)), ((), ())),
                                 preferred_element_type=jnp.float32) + b2_ref[...]


@jax.jit
def kernel(x, edge_index, W1, b1, gamma, beta, W2, b2):
    ei = edge_index.astype(jnp.int32)
    eidx = jnp.stack(
        [ei[1].reshape(NW, NCH, CH), ei[0].reshape(NW, NCH, CH)], axis=2)
    parts = _sc_agg(x, eidx)
    return pl.pallas_call(
        _mlp_body,
        out_shape=jax.ShapeDtypeStruct((N, D), jnp.float32),
    )(x, parts, W1, b1.reshape(1, D), gamma.reshape(1, D),
      beta.reshape(1, D), W2, b2.reshape(1, D))

# --- scband reference (transcript-rebuilt; emitter-appended) ---
"""Pipeline reference for scband-ginconv-51762945852037 (READ-ONLY COPY).

The authoritative reference and input builder live on the scoring server;
editing this copy changes nothing except your own understanding.
"""

import jax, jax.numpy as jnp
import numpy as np

N = 10000
E = 320000
D_IN = 128
D_OUT = 128
EPS_GIN = 0.0
BN_EPS = 1e-5


def setup_inputs(seed: int = 0) -> dict:
    key = jax.random.key(seed)
    k_x, k_ei, k_w1, k_b1, k_w2, k_b2 = jax.random.split(key, 6)
    x = jax.random.normal(k_x, (N, D_IN), dtype=jnp.float32)
    edge_index = jax.random.randint(k_ei, (2, E), 0, N, dtype=jnp.int64)
    s1 = 1.0 / np.sqrt(D_IN)
    s2 = 1.0 / np.sqrt(D_OUT)
    W1 = jax.random.uniform(k_w1, (D_OUT, D_IN), minval=-s1, maxval=s1, dtype=jnp.float32)
    b1 = jax.random.uniform(k_b1, (D_OUT,), minval=-s1, maxval=s1, dtype=jnp.float32)
    gamma = jnp.ones((D_OUT,), dtype=jnp.float32)
    beta = jnp.zeros((D_OUT,), dtype=jnp.float32)
    W2 = jax.random.uniform(k_w2, (D_OUT, D_OUT), minval=-s2, maxval=s2, dtype=jnp.float32)
    b2 = jax.random.uniform(k_b2, (D_OUT,), minval=-s2, maxval=s2, dtype=jnp.float32)
    return {"x": x, "edge_index": edge_index, "W1": W1, "b1": b1, "gamma": gamma, "beta": beta, "W2": W2, "b2": b2}


def reference(x, edge_index, W1, b1, gamma, beta, W2, b2):
    row = edge_index[0]
    col = edge_index[1]
    # unweighted: edge_weight = ones, so message is just x[col]
    agg_neighbors = jnp.zeros_like(x).at[row].add(x[col])
    x_updated = (1.0 + EPS_GIN) * x + agg_neighbors
    # Linear 1
    h = x_updated @ W1.T + b1
    # BatchNorm1d (training mode: batch statistics, biased variance)
    mean = jnp.mean(h, axis=0)
    var = jnp.var(h, axis=0)
    h = gamma * (h - mean) / jnp.sqrt(var + BN_EPS) + beta
    # ReLU
    h = jax.nn.relu(h)
    # Linear 2
    out = h @ W2.T + b2
    return out

if __name__ == "__main__":
    import jax
    _d = setup_inputs()
    print(jax.jit(kernel)(*tuple(_d.values())))

</pallas_src>

<mosaic_0001>
#map = affine_map<(d0, d1) -> (0, 0)>
#map1 = affine_map<(d0, d1) -> (0, 0, 0, 0)>
#map2 = affine_map<(d0, d1) -> (0, 0, 0)>
module attributes {stable_mosaic.version = 14 : i64} {
  func.func @_sc_agg(%arg0: i32, %arg1: i32, %arg2: memref<10000x128xf32, #tpu.memory_space<hbm>>, %arg3: memref<32x80x2x125xi32, #tpu.memory_space<hbm>>, %arg4: memref<2x10000x128xf32, #tpu.memory_space<hbm>>, %arg5: memref<2x125xi32, #tpu.memory_space<vmem>>, %arg6: memref<2x125xi32, #tpu.memory_space<vmem>>, %arg7: memref<125x128xf32, #tpu.memory_space<vmem>>, %arg8: memref<125x128xf32, #tpu.memory_space<vmem>>, %arg9: memref<10000x128xf32, #tpu.memory_space<vmem_shared>>, %arg10: memref<!tpu.dma_semaphore, #tpu.memory_space<semaphore_mem>>, %arg11: memref<!tpu.dma_semaphore, #tpu.memory_space<semaphore_mem>>, %arg12: memref<!tpu.dma_semaphore, #tpu.memory_space<semaphore_mem>>, %arg13: memref<!tpu.dma_semaphore, #tpu.memory_space<semaphore_mem>>) attributes {dimension_semantics = [#tpu.dimension_semantics<core_parallel>, #tpu.dimension_semantics<subcore_parallel>], iteration_bounds = array<i64: 2, 16>, scalar_prefetch = 0 : i64, scratch_operands = 9 : i64, tpu.core_type = #tpu.core_type<sc_vector_subcore>, window_params = [{transform_indices = #map}, {transform_indices = #map1}, {transform_indices = #map2}]} {
    %mul3A = arith.constant 2 : i32
    %mul3A_0 = arith.muli %arg1, %mul3A : i32
    %add3A = arith.addi %mul3A_0, %arg0 : i32
    %mul3A_1 = arith.constant 624 : i32
    %mul3A_2 = arith.muli %arg1, %mul3A_1 : i32
    %mul3A_3 = arith.constant 624 : i32
    %mul3A_4 = arith.muli %arg1, %mul3A_3 : i32
    "tpu.region"() ({
      %run_scoped3A_86 = tpu.sem_alloc : memref<!tpu.dma_semaphore, #tpu.memory_space<semaphore_mem>>
      %dma_start3A_87 = arith.constant 0 : i32
      %dma_start3A_88 = tpu.memref_slice %arg9[%mul3A_4, %dma_start3A_87] : memref<10000x128xf32, #tpu.memory_space<vmem_shared>> -> memref<624x128xf32, #tpu.memory_space<vmem_shared>>
      %dma_start3A_89 = arith.constant 0 : i32
      %dma_start3A_90 = tpu.memref_slice %arg2[%mul3A_2, %dma_start3A_89] : memref<10000x128xf32, #tpu.memory_space<hbm>> -> memref<624x128xf32, #tpu.memory_space<hbm>>
      tpu.enqueue_dma source(%dma_start3A_90 : memref<624x128xf32, #tpu.memory_space<hbm>>) target(%dma_start3A_88 : memref<624x128xf32, #tpu.memory_space<vmem_shared>>) target_semaphore(%run_scoped3A_86 : memref<!tpu.dma_semaphore, #tpu.memory_space<semaphore_mem>>)
      %dma_wait3A_91 = arith.constant 0 : i32
      %dma_wait3A_92 = tpu.memref_slice %arg9[%mul3A_4, %dma_wait3A_91] : memref<10000x128xf32, #tpu.memory_space<vmem_shared>> -> memref<624x128xf32, #tpu.memory_space<vmem_shared>>
      %dma_wait3A_93 = arith.constant 0 : i32
      %dma_wait3A_94 = tpu.memref_slice %arg2[%mul3A_2, %dma_wait3A_93] : memref<10000x128xf32, #tpu.memory_space<hbm>> -> memref<624x128xf32, #tpu.memory_space<hbm>>
      tpu.wait_dma2 semaphore(%run_scoped3A_86 : memref<!tpu.dma_semaphore, #tpu.memory_space<semaphore_mem>>) src(%dma_wait3A_94 : memref<624x128xf32, #tpu.memory_space<hbm>>) dst(%dma_wait3A_92 : memref<624x128xf32, #tpu.memory_space<vmem_shared>>)
      tpu.yield
    }) : () -> ()
    %eq3A = arith.constant 15 : i32
    %eq3A_5 = arith.cmpi eq, %arg1, %eq3A : i32
    %convert_element_type3A = arith.extui %eq3A_5 : i1 to i32
    %cond3A = arith.constant 0 : i32
    %cond3A_6 = arith.cmpi ne, %convert_element_type3A, %cond3A : i32
    scf.if %cond3A_6 {
      "tpu.region"() ({
        %run_scoped3A_86 = tpu.sem_alloc : memref<!tpu.dma_semaphore, #tpu.memory_space<semaphore_mem>>
        %dma_start3A_87 = arith.constant 9984 : i32
        %dma_start3A_88 = arith.constant 0 : i32
        %dma_start3A_89 = tpu.memref_slice %arg9[%dma_start3A_87, %dma_start3A_88] : memref<10000x128xf32, #tpu.memory_space<vmem_shared>> -> memref<16x128xf32, #tpu.memory_space<vmem_shared>>
        %dma_start3A_90 = arith.constant 9984 : i32
        %dma_start3A_91 = arith.constant 0 : i32
        %dma_start3A_92 = tpu.memref_slice %arg2[%dma_start3A_90, %dma_start3A_91] : memref<10000x128xf32, #tpu.memory_space<hbm>> -> memref<16x128xf32, #tpu.memory_space<hbm>>
        tpu.enqueue_dma source(%dma_start3A_92 : memref<16x128xf32, #tpu.memory_space<hbm>>) target(%dma_start3A_89 : memref<16x128xf32, #tpu.memory_space<vmem_shared>>) target_semaphore(%run_scoped3A_86 : memref<!tpu.dma_semaphore, #tpu.memory_space<semaphore_mem>>)
        %dma_wait3A_93 = arith.constant 9984 : i32
        %dma_wait3A_94 = arith.constant 0 : i32
        %dma_wait3A_95 = tpu.memref_slice %arg9[%dma_wait3A_93, %dma_wait3A_94] : memref<10000x128xf32, #tpu.memory_space<vmem_shared>> -> memref<16x128xf32, #tpu.memory_space<vmem_shared>>
        %dma_wait3A_96 = arith.constant 9984 : i32
        %dma_wait3A_97 = arith.constant 0 : i32
        %dma_wait3A_98 = tpu.memref_slice %arg2[%dma_wait3A_96, %dma_wait3A_97] : memref<10000x128xf32, #tpu.memory_space<hbm>> -> memref<16x128xf32, #tpu.memory_space<hbm>>
        tpu.wait_dma2 semaphore(%run_scoped3A_86 : memref<!tpu.dma_semaphore, #tpu.memory_space<semaphore_mem>>) src(%dma_wait3A_98 : memref<16x128xf32, #tpu.memory_space<hbm>>) dst(%dma_wait3A_95 : memref<16x128xf32, #tpu.memory_space<vmem_shared>>)
        tpu.yield
      }) : () -> ()
    } else {
    }
    %barrier3A = arith.constant 0 : index
    tpu.barrier barrier_id(%barrier3A)
    %dma_start3A = arith.constant 0 : i32
    %dma_start3A_7 = arith.constant 0 : i32
    %dma_start3A_8 = arith.constant 0 : i32
    %dma_start3A_9 = tpu.memref_slice %arg3[%add3A, %dma_start3A, %dma_start3A_7, %dma_start3A_8] : memref<32x80x2x125xi32, #tpu.memory_space<hbm>> -> memref<1x1x2x125xi32, #tpu.memory_space<hbm>>
    %dma_start3A_10 = tpu.memref_squeeze %dma_start3A_9 : memref<1x1x2x125xi32, #tpu.memory_space<hbm>> -> memref<2x125xi32, #tpu.memory_space<hbm>>
    %dma_start3A_11 = arith.constant 0 : i32
    %dma_start3A_12 = arith.constant 0 : i32
    %dma_start3A_13 = tpu.memref_slice %arg3[%add3A, %dma_start3A, %dma_start3A_11, %dma_start3A_12] : memref<32x80x2x125xi32, #tpu.memory_space<hbm>> -> memref<1x1x2x125xi32, #tpu.memory_space<hbm>>
    %dma_start3A_14 = tpu.memref_squeeze %dma_start3A_13 : memref<1x1x2x125xi32, #tpu.memory_space<hbm>> -> memref<2x125xi32, #tpu.memory_space<hbm>>
    tpu.enqueue_dma source(%dma_start3A_14 : memref<2x125xi32, #tpu.memory_space<hbm>>) target(%arg5 : memref<2x125xi32, #tpu.memory_space<vmem>>) target_semaphore(%arg10 : memref<!tpu.dma_semaphore, #tpu.memory_space<semaphore_mem>>)
    %dma_wait3A = arith.constant 0 : i32
    %dma_wait3A_15 = arith.constant 0 : i32
    %dma_wait3A_16 = arith.constant 0 : i32
    %dma_wait3A_17 = tpu.memref_slice %arg3[%add3A, %dma_wait3A, %dma_wait3A_15, %dma_wait3A_16] : memref<32x80x2x125xi32, #tpu.memory_space<hbm>> -> memref<1x1x2x125xi32, #tpu.memory_space<hbm>>
    %dma_wait3A_18 = tpu.memref_squeeze %dma_wait3A_17 : memref<1x1x2x125xi32, #tpu.memory_space<hbm>> -> memref<2x125xi32, #tpu.memory_space<hbm>>
    %dma_wait3A_19 = arith.constant 0 : i32
    %dma_wait3A_20 = arith.constant 0 : i32
    %dma_wait3A_21 = tpu.memref_slice %arg3[%add3A, %dma_wait3A, %dma_wait3A_19, %dma_wait3A_20] : memref<32x80x2x125xi32, #tpu.memory_space<hbm>> -> memref<1x1x2x125xi32, #tpu.memory_space<hbm>>
    %dma_wait3A_22 = tpu.memref_squeeze %dma_wait3A_21 : memref<1x1x2x125xi32, #tpu.memory_space<hbm>> -> memref<2x125xi32, #tpu.memory_space<hbm>>
    tpu.wait_dma2 semaphore(%arg10 : memref<!tpu.dma_semaphore, #tpu.memory_space<semaphore_mem>>) src(%dma_wait3A_22 : memref<2x125xi32, #tpu.memory_space<hbm>>) dst(%arg5 : memref<2x125xi32, #tpu.memory_space<vmem>>)
    %dma_start3A_23 = arith.constant 1 : i32
    %dma_start3A_24 = arith.constant 0 : i32
    %dma_start3A_25 = arith.constant 0 : i32
    %dma_start3A_26 = tpu.memref_slice %arg3[%add3A, %dma_start3A_23, %dma_start3A_24, %dma_start3A_25] : memref<32x80x2x125xi32, #tpu.memory_space<hbm>> -> memref<1x1x2x125xi32, #tpu.memory_space<hbm>>
    %dma_start3A_27 = tpu.memref_squeeze %dma_start3A_26 : memref<1x1x2x125xi32, #tpu.memory_space<hbm>> -> memref<2x125xi32, #tpu.memory_space<hbm>>
    %dma_start3A_28 = arith.constant 0 : i32
    %dma_start3A_29 = arith.constant 0 : i32
    %dma_start3A_30 = tpu.memref_slice %arg3[%add3A, %dma_start3A_23, %dma_start3A_28, %dma_start3A_29] : memref<32x80x2x125xi32, #tpu.memory_space<hbm>> -> memref<1x1x2x125xi32, #tpu.memory_space<hbm>>
    %dma_start3A_31 = tpu.memref_squeeze %dma_start3A_30 : memref<1x1x2x125xi32, #tpu.memory_space<hbm>> -> memref<2x125xi32, #tpu.memory_space<hbm>>
    tpu.enqueue_dma source(%dma_start3A_31 : memref<2x125xi32, #tpu.memory_space<hbm>>) target(%arg6 : memref<2x125xi32, #tpu.memory_space<vmem>>) target_semaphore(%arg11 : memref<!tpu.dma_semaphore, #tpu.memory_space<semaphore_mem>>)
    %dma_start3A_32 = arith.constant 0 : i32
    %dma_start3A_33 = arith.constant 0 : i32
    %dma_start3A_34 = tpu.memref_slice %arg5[%dma_start3A_32, %dma_start3A_33] : memref<2x125xi32, #tpu.memory_space<vmem>> -> memref<1x125xi32, #tpu.memory_space<vmem>>
    %dma_start3A_35 = tpu.memref_squeeze %dma_start3A_34 : memref<1x125xi32, #tpu.memory_space<vmem>> -> memref<125xi32, #tpu.memory_space<vmem>>
    %dma_start3A_36 = arith.constant 0 : i32
    %dma_start3A_37 = arith.constant 0 : i32
    %dma_start3A_38 = tpu.memref_slice %arg2[%dma_start3A_36, %dma_start3A_37] : memref<10000x128xf32, #tpu.memory_space<hbm>> -> memref<10000x128xf32, #tpu.memory_space<hbm>>
    tpu.enqueue_indirect_dma source(%dma_start3A_38 : memref<10000x128xf32, #tpu.memory_space<hbm>>) target(%arg7 : memref<125x128xf32, #tpu.memory_space<vmem>>) offsets(%dma_start3A_35 : memref<125xi32, #tpu.memory_space<vmem>>) semaphore(%arg12 : memref<!tpu.dma_semaphore, #tpu.memory_space<semaphore_mem>>)
    %scan3A = arith.constant 0 : i32
    %scan3A_39 = arith.constant 0 : i32
    %scan3A_40 = arith.constant 39 : i32
    %scan3A_41 = arith.addi %scan3A_39, %scan3A_40 : i32
    %scan3A_42 = arith.constant 1 : i32
    %scan3A_43 = scf.for %scan3A_86 = %scan3A_39 to %scan3A_41 step %scan3A_42 iter_args(%scan3A_87 = %scan3A) -> (i32)  : i32 {
      %mul3A_88 = arith.constant 2 : i32
      %mul3A_89 = arith.muli %scan3A_86, %mul3A_88 : i32
      %dma_wait3A_90 = arith.constant 0 : i32
      %dma_wait3A_91 = arith.constant 0 : i32
      %dma_wait3A_92 = tpu.memref_slice %arg5[%dma_wait3A_90, %dma_wait3A_91] : memref<2x125xi32, #tpu.memory_space<vmem>> -> memref<1x125xi32, #tpu.memory_space<vmem>>
      %dma_wait3A_93 = tpu.memref_squeeze %dma_wait3A_92 : memref<1x125xi32, #tpu.memory_space<vmem>> -> memref<125xi32, #tpu.memory_space<vmem>>
      %dma_wait3A_94 = arith.constant 0 : i32
      %dma_wait3A_95 = arith.constant 0 : i32
      %dma_wait3A_96 = tpu.memref_slice %arg2[%dma_wait3A_94, %dma_wait3A_95] : memref<10000x128xf32, #tpu.memory_space<hbm>> -> memref<10000x128xf32, #tpu.memory_space<hbm>>
      tpu.wait_indirect_dma semaphore(%arg12 : memref<!tpu.dma_semaphore, #tpu.memory_space<semaphore_mem>>) src(%dma_wait3A_96 : memref<10000x128xf32, #tpu.memory_space<hbm>>) dst(%arg7 : memref<125x128xf32, #tpu.memory_space<vmem>>)
      %dma_wait3A_97 = arith.constant 0 : i32
      %dma_wait3A_98 = arith.constant 0 : i32
      %dma_wait3A_99 = tpu.memref_slice %arg3[%add3A, %mul3A_89, %dma_wait3A_97, %dma_wait3A_98] : memref<32x80x2x125xi32, #tpu.memory_space<hbm>> -> memref<1x1x2x125xi32, #tpu.memory_space<hbm>>
      %dma_wait3A_100 = tpu.memref_squeeze %dma_wait3A_99 : memref<1x1x2x125xi32, #tpu.memory_space<hbm>> -> memref<2x125xi32, #tpu.memory_space<hbm>>
      %dma_wait3A_101 = arith.constant 0 : i32
      %dma_wait3A_102 = arith.constant 0 : i32
      %dma_wait3A_103 = tpu.memref_slice %arg3[%add3A, %mul3A_89, %dma_wait3A_101, %dma_wait3A_102] : memref<32x80x2x125xi32, #tpu.memory_space<hbm>> -> memref<1x1x2x125xi32, #tpu.memory_space<hbm>>
      %dma_wait3A_104 = tpu.memref_squeeze %dma_wait3A_103 : memref<1x1x2x125xi32, #tpu.memory_space<hbm>> -> memref<2x125xi32, #tpu.memory_space<hbm>>
      tpu.wait_dma2 semaphore(%arg11 : memref<!tpu.dma_semaphore, #tpu.memory_space<semaphore_mem>>) src(%dma_wait3A_104 : memref<2x125xi32, #tpu.memory_space<hbm>>) dst(%arg6 : memref<2x125xi32, #tpu.memory_space<vmem>>)
      %dma_start3A_105 = arith.constant 0 : i32
      %dma_start3A_106 = arith.constant 0 : i32
      %dma_start3A_107 = tpu.memref_slice %arg6[%dma_start3A_105, %dma_start3A_106] : memref<2x125xi32, #tpu.memory_space<vmem>> -> memref<1x125xi32, #tpu.memory_space<vmem>>
      %dma_start3A_108 = tpu.memref_squeeze %dma_start3A_107 : memref<1x125xi32, #tpu.memory_space<vmem>> -> memref<125xi32, #tpu.memory_space<vmem>>
      %dma_start3A_109 = arith.constant 0 : i32
      %dma_start3A_110 = arith.constant 0 : i32
      %dma_start3A_111 = tpu.memref_slice %arg2[%dma_start3A_109, %dma_start3A_110] : memref<10000x128xf32, #tpu.memory_space<hbm>> -> memref<10000x128xf32, #tpu.memory_space<hbm>>
      tpu.enqueue_indirect_dma source(%dma_start3A_111 : memref<10000x128xf32, #tpu.memory_space<hbm>>) target(%arg8 : memref<125x128xf32, #tpu.memory_space<vmem>>) offsets(%dma_start3A_108 : memref<125xi32, #tpu.memory_space<vmem>>) semaphore(%arg13 : memref<!tpu.dma_semaphore, #tpu.memory_space<semaphore_mem>>)
      %run_scoped3A_112 = arith.constant 1 : i32
      "tpu.region"() ({
        %run_scoped3A_159 = tpu.sem_alloc : memref<!tpu.dma_semaphore, #tpu.memory_space<semaphore_mem>>
        %dma_start3A_160 = arith.constant 0 : i32
        %dma_start3A_161 = tpu.memref_slice %arg5[%run_scoped3A_112, %dma_start3A_160] : memref<2x125xi32, #tpu.memory_space<vmem>> -> memref<1x125xi32, #tpu.memory_space<vmem>>
        %dma_start3A_162 = tpu.memref_squeeze %dma_start3A_161 : memref<1x125xi32, #tpu.memory_space<vmem>> -> memref<125xi32, #tpu.memory_space<vmem>>
        %dma_start3A_163 = arith.constant 0 : i32
        %dma_start3A_164 = arith.constant 0 : i32
        %dma_start3A_165 = tpu.memref_slice %arg9[%dma_start3A_163, %dma_start3A_164] : memref<10000x128xf32, #tpu.memory_space<vmem_shared>> -> memref<10000x128xf32, #tpu.memory_space<vmem_shared>>
        tpu.enqueue_indirect_dma source(%arg7 : memref<125x128xf32, #tpu.memory_space<vmem>>) target(%dma_start3A_165 : memref<10000x128xf32, #tpu.memory_space<vmem_shared>>) offsets(%dma_start3A_162 : memref<125xi32, #tpu.memory_space<vmem>>) semaphore(%run_scoped3A_159 : memref<!tpu.dma_semaphore, #tpu.memory_space<semaphore_mem>>) {add = true}
        %dma_wait3A_166 = arith.constant 0 : i32
        %dma_wait3A_167 = tpu.memref_slice %arg5[%run_scoped3A_112, %dma_wait3A_166] : memref<2x125xi32, #tpu.memory_space<vmem>> -> memref<1x125xi32, #tpu.memory_space<vmem>>
        %dma_wait3A_168 = tpu.memref_squeeze %dma_wait3A_167 : memref<1x125xi32, #tpu.memory_space<vmem>> -> memref<125xi32, #tpu.memory_space<vmem>>
        %dma_wait3A_169 = arith.constant 0 : i32
        %dma_wait3A_170 = arith.constant 0 : i32
        %dma_wait3A_171 = tpu.memref_slice %arg9[%dma_wait3A_169, %dma_wait3A_170] : memref<10000x128xf32, #tpu.memory_space<vmem_shared>> -> memref<10000x128xf32, #tpu.memory_space<vmem_shared>>
        tpu.wait_indirect_dma semaphore(%run_scoped3A_159 : memref<!tpu.dma_semaphore, #tpu.memory_space<semaphore_mem>>) src(%arg7 : memref<125x128xf32, #tpu.memory_space<vmem>>) dst(%dma_wait3A_171 : memref<10000x128xf32, #tpu.memory_space<vmem_shared>>)
        tpu.yield
      }) : () -> ()
      %add3A_113 = arith.constant 2 : i32
      %add3A_114 = arith.addi %mul3A_89, %add3A_113 : i32
      %dma_start3A_115 = arith.constant 0 : i32
      %dma_start3A_116 = arith.constant 0 : i32
      %dma_start3A_117 = tpu.memref_slice %arg3[%add3A, %add3A_114, %dma_start3A_115, %dma_start3A_116] : memref<32x80x2x125xi32, #tpu.memory_space<hbm>> -> memref<1x1x2x125xi32, #tpu.memory_space<hbm>>
      %dma_start3A_118 = tpu.memref_squeeze %dma_start3A_117 : memref<1x1x2x125xi32, #tpu.memory_space<hbm>> -> memref<2x125xi32, #tpu.memory_space<hbm>>
      %dma_start3A_119 = arith.constant 0 : i32
      %dma_start3A_120 = arith.constant 0 : i32
      %dma_start3A_121 = tpu.memref_slice %arg3[%add3A, %add3A_114, %dma_start3A_119, %dma_start3A_120] : memref<32x80x2x125xi32, #tpu.memory_space<hbm>> -> memref<1x1x2x125xi32, #tpu.memory_space<hbm>>
      %dma_start3A_122 = tpu.memref_squeeze %dma_start3A_121 : memref<1x1x2x125xi32, #tpu.memory_space<hbm>> -> memref<2x125xi32, #tpu.memory_space<hbm>>
      tpu.enqueue_dma source(%dma_start3A_122 : memref<2x125xi32, #tpu.memory_space<hbm>>) target(%arg5 : memref<2x125xi32, #tpu.memory_space<vmem>>) target_semaphore(%arg10 : memref<!tpu.dma_semaphore, #tpu.memory_space<semaphore_mem>>)
      %add3A_123 = arith.constant 1 : i32
      %add3A_124 = arith.addi %mul3A_89, %add3A_123 : i32
      %dma_wait3A_125 = arith.constant 0 : i32
      %dma_wait3A_126 = arith.constant 0 : i32
      %dma_wait3A_127 = tpu.memref_slice %arg6[%dma_wait3A_125, %dma_wait3A_126] : memref<2x125xi32, #tpu.memory_space<vmem>> -> memref<1x125xi32, #tpu.memory_space<vmem>>
      %dma_wait3A_128 = tpu.memref_squeeze %dma_wait3A_127 : memref<1x125xi32, #tpu.memory_space<vmem>> -> memref<125xi32, #tpu.memory_space<vmem>>
      %dma_wait3A_129 = arith.constant 0 : i32
      %dma_wait3A_130 = arith.constant 0 : i32
      %dma_wait3A_131 = tpu.memref_slice %arg2[%dma_wait3A_129, %dma_wait3A_130] : memref<10000x128xf32, #tpu.memory_space<hbm>> -> memref<10000x128xf32, #tpu.memory_space<hbm>>
      tpu.wait_indirect_dma semaphore(%arg13 : memref<!tpu.dma_semaphore, #tpu.memory_space<semaphore_mem>>) src(%dma_wait3A_131 : memref<10000x128xf32, #tpu.memory_space<hbm>>) dst(%arg8 : memref<125x128xf32, #tpu.memory_space<vmem>>)
      %dma_wait3A_132 = arith.constant 0 : i32
      %dma_wait3A_133 = arith.constant 0 : i32
      %dma_wait3A_134 = tpu.memref_slice %arg3[%add3A, %add3A_124, %dma_wait3A_132, %dma_wait3A_133] : memref<32x80x2x125xi32, #tpu.memory_space<hbm>> -> memref<1x1x2x125xi32, #tpu.memory_space<hbm>>
      %dma_wait3A_135 = tpu.memref_squeeze %dma_wait3A_134 : memref<1x1x2x125xi32, #tpu.memory_space<hbm>> -> memref<2x125xi32, #tpu.memory_space<hbm>>
      %dma_wait3A_136 = arith.constant 0 : i32
      %dma_wait3A_137 = arith.constant 0 : i32
      %dma_wait3A_138 = tpu.memref_slice %arg3[%add3A, %add3A_124, %dma_wait3A_136, %dma_wait3A_137] : memref<32x80x2x125xi32, #tpu.memory_space<hbm>> -> memref<1x1x2x125xi32, #tpu.memory_space<hbm>>
      %dma_wait3A_139 = tpu.memref_squeeze %dma_wait3A_138 : memref<1x1x2x125xi32, #tpu.memory_space<hbm>> -> memref<2x125xi32, #tpu.memory_space<hbm>>
      tpu.wait_dma2 semaphore(%arg10 : memref<!tpu.dma_semaphore, #tpu.memory_space<semaphore_mem>>) src(%dma_wait3A_139 : memref<2x125xi32, #tpu.memory_space<hbm>>) dst(%arg5 : memref<2x125xi32, #tpu.memory_space<vmem>>)
      %dma_start3A_140 = arith.constant 0 : i32
      %dma_start3A_141 = arith.constant 0 : i32
      %dma_start3A_142 = tpu.memref_slice %arg5[%dma_start3A_140, %dma_start3A_141] : memref<2x125xi32, #tpu.memory_space<vmem>> -> memref<1x125xi32, #tpu.memory_space<vmem>>
      %dma_start3A_143 = tpu.memref_squeeze %dma_start3A_142 : memref<1x125xi32, #tpu.memory_space<vmem>> -> memref<125xi32, #tpu.memory_space<vmem>>
      %dma_start3A_144 = arith.constant 0 : i32
      %dma_start3A_145 = arith.constant 0 : i32
      %dma_start3A_146 = tpu.memref_slice %arg2[%dma_start3A_144, %dma_start3A_145] : memref<10000x128xf32, #tpu.memory_space<hbm>> -> memref<10000x128xf32, #tpu.memory_space<hbm>>
      tpu.enqueue_indirect_dma source(%dma_start3A_146 : memref<10000x128xf32, #tpu.memory_space<hbm>>) target(%arg7 : memref<125x128xf32, #tpu.memory_space<vmem>>) offsets(%dma_start3A_143 : memref<125xi32, #tpu.memory_space<vmem>>) semaphore(%arg12 : memref<!tpu.dma_semaphore, #tpu.memory_space<semaphore_mem>>)
      %run_scoped3A_147 = arith.constant 1 : i32
      "tpu.region"() ({
        %run_scoped3A_159 = tpu.sem_alloc : memref<!tpu.dma_semaphore, #tpu.memory_space<semaphore_mem>>
        %dma_start3A_160 = arith.constant 0 : i32
        %dma_start3A_161 = tpu.memref_slice %arg6[%run_scoped3A_147, %dma_start3A_160] : memref<2x125xi32, #tpu.memory_space<vmem>> -> memref<1x125xi32, #tpu.memory_space<vmem>>
        %dma_start3A_162 = tpu.memref_squeeze %dma_start3A_161 : memref<1x125xi32, #tpu.memory_space<vmem>> -> memref<125xi32, #tpu.memory_space<vmem>>
        %dma_start3A_163 = arith.constant 0 : i32
        %dma_start3A_164 = arith.constant 0 : i32
        %dma_start3A_165 = tpu.memref_slice %arg9[%dma_start3A_163, %dma_start3A_164] : memref<10000x128xf32, #tpu.memory_space<vmem_shared>> -> memref<10000x128xf32, #tpu.memory_space<vmem_shared>>
        tpu.enqueue_indirect_dma source(%arg8 : memref<125x128xf32, #tpu.memory_space<vmem>>) target(%dma_start3A_165 : memref<10000x128xf32, #tpu.memory_space<vmem_shared>>) offsets(%dma_start3A_162 : memref<125xi32, #tpu.memory_space<vmem>>) semaphore(%run_scoped3A_159 : memref<!tpu.dma_semaphore, #tpu.memory_space<semaphore_mem>>) {add = true}
        %dma_wait3A_166 = arith.constant 0 : i32
        %dma_wait3A_167 = tpu.memref_slice %arg6[%run_scoped3A_147, %dma_wait3A_166] : memref<2x125xi32, #tpu.memory_space<vmem>> -> memref<1x125xi32, #tpu.memory_space<vmem>>
        %dma_wait3A_168 = tpu.memref_squeeze %dma_wait3A_167 : memref<1x125xi32, #tpu.memory_space<vmem>> -> memref<125xi32, #tpu.memory_space<vmem>>
        %dma_wait3A_169 = arith.constant 0 : i32
        %dma_wait3A_170 = arith.constant 0 : i32
        %dma_wait3A_171 = tpu.memref_slice %arg9[%dma_wait3A_169, %dma_wait3A_170] : memref<10000x128xf32, #tpu.memory_space<vmem_shared>> -> memref<10000x128xf32, #tpu.memory_space<vmem_shared>>
        tpu.wait_indirect_dma semaphore(%run_scoped3A_159 : memref<!tpu.dma_semaphore, #tpu.memory_space<semaphore_mem>>) src(%arg8 : memref<125x128xf32, #tpu.memory_space<vmem>>) dst(%dma_wait3A_171 : memref<10000x128xf32, #tpu.memory_space<vmem_shared>>)
        tpu.yield
      }) : () -> ()
      %add3A_148 = arith.constant 2 : i32
      %add3A_149 = arith.addi %add3A_124, %add3A_148 : i32
      %dma_start3A_150 = arith.constant 0 : i32
      %dma_start3A_151 = arith.constant 0 : i32
      %dma_start3A_152 = tpu.memref_slice %arg3[%add3A, %add3A_149, %dma_start3A_150, %dma_start3A_151] : memref<32x80x2x125xi32, #tpu.memory_space<hbm>> -> memref<1x1x2x125xi32, #tpu.memory_space<hbm>>
      %dma_start3A_153 = tpu.memref_squeeze %dma_start3A_152 : memref<1x1x2x125xi32, #tpu.memory_space<hbm>> -> memref<2x125xi32, #tpu.memory_space<hbm>>
      %dma_start3A_154 = arith.constant 0 : i32
      %dma_start3A_155 = arith.constant 0 : i32
      %dma_start3A_156 = tpu.memref_slice %arg3[%add3A, %add3A_149, %dma_start3A_154, %dma_start3A_155] : memref<32x80x2x125xi32, #tpu.memory_space<hbm>> -> memref<1x1x2x125xi32, #tpu.memory_space<hbm>>
      %dma_start3A_157 = tpu.memref_squeeze %dma_start3A_156 : memref<1x1x2x125xi32, #tpu.memory_space<hbm>> -> memref<2x125xi32, #tpu.memory_space<hbm>>
      tpu.enqueue_dma source(%dma_start3A_157 : memref<2x125xi32, #tpu.memory_space<hbm>>) target(%arg6 : memref<2x125xi32, #tpu.memory_space<vmem>>) target_semaphore(%arg11 : memref<!tpu.dma_semaphore, #tpu.memory_space<semaphore_mem>>)
      %scan3A_158 = arith.constant 0 : i32
      scf.yield %scan3A_158 : i32
    }
    %scan3A_44 = arith.constant 39 : i32
    %dma_wait3A_45 = arith.constant 0 : i32
    %dma_wait3A_46 = arith.constant 0 : i32
    %dma_wait3A_47 = tpu.memref_slice %arg5[%dma_wait3A_45, %dma_wait3A_46] : memref<2x125xi32, #tpu.memory_space<vmem>> -> memref<1x125xi32, #tpu.memory_space<vmem>>
    %dma_wait3A_48 = tpu.memref_squeeze %dma_wait3A_47 : memref<1x125xi32, #tpu.memory_space<vmem>> -> memref<125xi32, #tpu.memory_space<vmem>>
    %dma_wait3A_49 = arith.constant 0 : i32
    %dma_wait3A_50 = arith.constant 0 : i32
    %dma_wait3A_51 = tpu.memref_slice %arg2[%dma_wait3A_49, %dma_wait3A_50] : memref<10000x128xf32, #tpu.memory_space<hbm>> -> memref<10000x128xf32, #tpu.memory_space<hbm>>
    tpu.wait_indirect_dma semaphore(%arg12 : memref<!tpu.dma_semaphore, #tpu.memory_space<semaphore_mem>>) src(%dma_wait3A_51 : memref<10000x128xf32, #tpu.memory_space<hbm>>) dst(%arg7 : memref<125x128xf32, #tpu.memory_space<vmem>>)
    %dma_wait3A_52 = arith.constant 78 : i32
    %dma_wait3A_53 = arith.constant 0 : i32
    %dma_wait3A_54 = arith.constant 0 : i32
    %dma_wait3A_55 = tpu.memref_slice %arg3[%add3A, %dma_wait3A_52, %dma_wait3A_53, %dma_wait3A_54] : memref<32x80x2x125xi32, #tpu.memory_space<hbm>> -> memref<1x1x2x125xi32, #tpu.memory_space<hbm>>
    %dma_wait3A_56 = tpu.memref_squeeze %dma_wait3A_55 : memref<1x1x2x125xi32, #tpu.memory_space<hbm>> -> memref<2x125xi32, #tpu.memory_space<hbm>>
    %dma_wait3A_57 = arith.constant 0 : i32
    %dma_wait3A_58 = arith.constant 0 : i32
    %dma_wait3A_59 = tpu.memref_slice %arg3[%add3A, %dma_wait3A_52, %dma_wait3A_57, %dma_wait3A_58] : memref<32x80x2x125xi32, #tpu.memory_space<hbm>> -> memref<1x1x2x125xi32, #tpu.memory_space<hbm>>
    %dma_wait3A_60 = tpu.memref_squeeze %dma_wait3A_59 : memref<1x1x2x125xi32, #tpu.memory_space<hbm>> -> memref<2x125xi32, #tpu.memory_space<hbm>>
    tpu.wait_dma2 semaphore(%arg11 : memref<!tpu.dma_semaphore, #tpu.memory_space<semaphore_mem>>) src(%dma_wait3A_60 : memref<2x125xi32, #tpu.memory_space<hbm>>) dst(%arg6 : memref<2x125xi32, #tpu.memory_space<vmem>>)
    %dma_start3A_61 = arith.constant 0 : i32
    %dma_start3A_62 = arith.constant 0 : i32
    %dma_start3A_63 = tpu.memref_slice %arg6[%dma_start3A_61, %dma_start3A_62] : memref<2x125xi32, #tpu.memory_space<vmem>> -> memref<1x125xi32, #tpu.memory_space<vmem>>
    %dma_start3A_64 = tpu.memref_squeeze %dma_start3A_63 : memref<1x125xi32, #tpu.memory_space<vmem>> -> memref<125xi32, #tpu.memory_space<vmem>>
    %dma_start3A_65 = arith.constant 0 : i32
    %dma_start3A_66 = arith.constant 0 : i32
    %dma_start3A_67 = tpu.memref_slice %arg2[%dma_start3A_65, %dma_start3A_66] : memref<10000x128xf32, #tpu.memory_space<hbm>> -> memref<10000x128xf32, #tpu.memory_space<hbm>>
    tpu.enqueue_indirect_dma source(%dma_start3A_67 : memref<10000x128xf32, #tpu.memory_space<hbm>>) target(%arg8 : memref<125x128xf32, #tpu.memory_space<vmem>>) offsets(%dma_start3A_64 : memref<125xi32, #tpu.memory_space<vmem>>) semaphore(%arg13 : memref<!tpu.dma_semaphore, #tpu.memory_space<semaphore_mem>>)
    %run_scoped3A = arith.constant 1 : i32
    "tpu.region"() ({
      %run_scoped3A_86 = tpu.sem_alloc : memref<!tpu.dma_semaphore, #tpu.memory_space<semaphore_mem>>
      %dma_start3A_87 = arith.constant 0 : i32
      %dma_start3A_88 = tpu.memref_slice %arg5[%run_scoped3A, %dma_start3A_87] : memref<2x125xi32, #tpu.memory_space<vmem>> -> memref<1x125xi32, #tpu.memory_space<vmem>>
      %dma_start3A_89 = tpu.memref_squeeze %dma_start3A_88 : memref<1x125xi32, #tpu.memory_space<vmem>> -> memref<125xi32, #tpu.memory_space<vmem>>
      %dma_start3A_90 = arith.constant 0 : i32
      %dma_start3A_91 = arith.constant 0 : i32
      %dma_start3A_92 = tpu.memref_slice %arg9[%dma_start3A_90, %dma_start3A_91] : memref<10000x128xf32, #tpu.memory_space<vmem_shared>> -> memref<10000x128xf32, #tpu.memory_space<vmem_shared>>
      tpu.enqueue_indirect_dma source(%arg7 : memref<125x128xf32, #tpu.memory_space<vmem>>) target(%dma_start3A_92 : memref<10000x128xf32, #tpu.memory_space<vmem_shared>>) offsets(%dma_start3A_89 : memref<125xi32, #tpu.memory_space<vmem>>) semaphore(%run_scoped3A_86 : memref<!tpu.dma_semaphore, #tpu.memory_space<semaphore_mem>>) {add = true}
      %dma_wait3A_93 = arith.constant 0 : i32
      %dma_wait3A_94 = tpu.memref_slice %arg5[%run_scoped3A, %dma_wait3A_93] : memref<2x125xi32, #tpu.memory_space<vmem>> -> memref<1x125xi32, #tpu.memory_space<vmem>>
      %dma_wait3A_95 = tpu.memref_squeeze %dma_wait3A_94 : memref<1x125xi32, #tpu.memory_space<vmem>> -> memref<125xi32, #tpu.memory_space<vmem>>
      %dma_wait3A_96 = arith.constant 0 : i32
      %dma_wait3A_97 = arith.constant 0 : i32
      %dma_wait3A_98 = tpu.memref_slice %arg9[%dma_wait3A_96, %dma_wait3A_97] : memref<10000x128xf32, #tpu.memory_space<vmem_shared>> -> memref<10000x128xf32, #tpu.memory_space<vmem_shared>>
      tpu.wait_indirect_dma semaphore(%run_scoped3A_86 : memref<!tpu.dma_semaphore, #tpu.memory_space<semaphore_mem>>) src(%arg7 : memref<125x128xf32, #tpu.memory_space<vmem>>) dst(%dma_wait3A_98 : memref<10000x128xf32, #tpu.memory_space<vmem_shared>>)
      tpu.yield
    }) : () -> ()
    %dma_wait3A_68 = arith.constant 0 : i32
    %dma_wait3A_69 = arith.constant 0 : i32
    %dma_wait3A_70 = tpu.memref_slice %arg6[%dma_wait3A_68, %dma_wait3A_69] : memref<2x125xi32, #tpu.memory_space<vmem>> -> memref<1x125xi32, #tpu.memory_space<vmem>>
    %dma_wait3A_71 = tpu.memref_squeeze %dma_wait3A_70 : memref<1x125xi32, #tpu.memory_space<vmem>> -> memref<125xi32, #tpu.memory_space<vmem>>
    %dma_wait3A_72 = arith.constant 0 : i32
    %dma_wait3A_73 = arith.constant 0 : i32
    %dma_wait3A_74 = tpu.memref_slice %arg2[%dma_wait3A_72, %dma_wait3A_73] : memref<10000x128xf32, #tpu.memory_space<hbm>> -> memref<10000x128xf32, #tpu.memory_space<hbm>>
    tpu.wait_indirect_dma semaphore(%arg13 : memref<!tpu.dma_semaphore, #tpu.memory_space<semaphore_mem>>) src(%dma_wait3A_74 : memref<10000x128xf32, #tpu.memory_space<hbm>>) dst(%arg8 : memref<125x128xf32, #tpu.memory_space<vmem>>)
    %run_scoped3A_75 = arith.constant 1 : i32
    "tpu.region"() ({
      %run_scoped3A_86 = tpu.sem_alloc : memref<!tpu.dma_semaphore, #tpu.memory_space<semaphore_mem>>
      %dma_start3A_87 = arith.constant 0 : i32
      %dma_start3A_88 = tpu.memref_slice %arg6[%run_scoped3A_75, %dma_start3A_87] : memref<2x125xi32, #tpu.memory_space<vmem>> -> memref<1x125xi32, #tpu.memory_space<vmem>>
      %dma_start3A_89 = tpu.memref_squeeze %dma_start3A_88 : memref<1x125xi32, #tpu.memory_space<vmem>> -> memref<125xi32, #tpu.memory_space<vmem>>
      %dma_start3A_90 = arith.constant 0 : i32
      %dma_start3A_91 = arith.constant 0 : i32
      %dma_start3A_92 = tpu.memref_slice %arg9[%dma_start3A_90, %dma_start3A_91] : memref<10000x128xf32, #tpu.memory_space<vmem_shared>> -> memref<10000x128xf32, #tpu.memory_space<vmem_shared>>
      tpu.enqueue_indirect_dma source(%arg8 : memref<125x128xf32, #tpu.memory_space<vmem>>) target(%dma_start3A_92 : memref<10000x128xf32, #tpu.memory_space<vmem_shared>>) offsets(%dma_start3A_89 : memref<125xi32, #tpu.memory_space<vmem>>) semaphore(%run_scoped3A_86 : memref<!tpu.dma_semaphore, #tpu.memory_space<semaphore_mem>>) {add = true}
      %dma_wait3A_93 = arith.constant 0 : i32
      %dma_wait3A_94 = tpu.memref_slice %arg6[%run_scoped3A_75, %dma_wait3A_93] : memref<2x125xi32, #tpu.memory_space<vmem>> -> memref<1x125xi32, #tpu.memory_space<vmem>>
      %dma_wait3A_95 = tpu.memref_squeeze %dma_wait3A_94 : memref<1x125xi32, #tpu.memory_space<vmem>> -> memref<125xi32, #tpu.memory_space<vmem>>
      %dma_wait3A_96 = arith.constant 0 : i32
      %dma_wait3A_97 = arith.constant 0 : i32
      %dma_wait3A_98 = tpu.memref_slice %arg9[%dma_wait3A_96, %dma_wait3A_97] : memref<10000x128xf32, #tpu.memory_space<vmem_shared>> -> memref<10000x128xf32, #tpu.memory_space<vmem_shared>>
      tpu.wait_indirect_dma semaphore(%run_scoped3A_86 : memref<!tpu.dma_semaphore, #tpu.memory_space<semaphore_mem>>) src(%arg8 : memref<125x128xf32, #tpu.memory_space<vmem>>) dst(%dma_wait3A_98 : memref<10000x128xf32, #tpu.memory_space<vmem_shared>>)
      tpu.yield
    }) : () -> ()
    %barrier3A_76 = arith.constant 0 : index
    tpu.barrier barrier_id(%barrier3A_76)
    %mul3A_77 = arith.constant 624 : i32
    %mul3A_78 = arith.muli %arg1, %mul3A_77 : i32
    %mul3A_79 = arith.constant 624 : i32
    %mul3A_80 = arith.muli %arg1, %mul3A_79 : i32
    "tpu.region"() ({
      %run_scoped3A_86 = tpu.sem_alloc : memref<!tpu.dma_semaphore, #tpu.memory_space<semaphore_mem>>
      %dma_start3A_87 = arith.constant 0 : i32
      %dma_start3A_88 = arith.constant 0 : i32
      %dma_start3A_89 = tpu.memref_slice %arg4[%arg0, %dma_start3A_87, %dma_start3A_88] : memref<2x10000x128xf32, #tpu.memory_space<hbm>> -> memref<1x10000x128xf32, #tpu.memory_space<hbm>>
      %dma_start3A_90 = tpu.memref_squeeze %dma_start3A_89 : memref<1x10000x128xf32, #tpu.memory_space<hbm>> -> memref<10000x128xf32, #tpu.memory_space<hbm>>
      %dma_start3A_91 = arith.constant 0 : i32
      %dma_start3A_92 = tpu.memref_slice %dma_start3A_90[%mul3A_80, %dma_start3A_91] : memref<10000x128xf32, #tpu.memory_space<hbm>> -> memref<624x128xf32, #tpu.memory_space<hbm>>
      %dma_start3A_93 = arith.constant 0 : i32
      %dma_start3A_94 = tpu.memref_slice %arg9[%mul3A_78, %dma_start3A_93] : memref<10000x128xf32, #tpu.memory_space<vmem_shared>> -> memref<624x128xf32, #tpu.memory_space<vmem_shared>>
      tpu.enqueue_dma source(%dma_start3A_94 : memref<624x128xf32, #tpu.memory_space<vmem_shared>>) target(%dma_start3A_92 : memref<624x128xf32, #tpu.memory_space<hbm>>) target_semaphore(%run_scoped3A_86 : memref<!tpu.dma_semaphore, #tpu.memory_space<semaphore_mem>>)
      %dma_wait3A_95 = arith.constant 0 : i32
      %dma_wait3A_96 = arith.constant 0 : i32
      %dma_wait3A_97 = tpu.memref_slice %arg4[%arg0, %dma_wait3A_95, %dma_wait3A_96] : memref<2x10000x128xf32, #tpu.memory_space<hbm>> -> memref<1x10000x128xf32, #tpu.memory_space<hbm>>
      %dma_wait3A_98 = tpu.memref_squeeze %dma_wait3A_97 : memref<1x10000x128xf32, #tpu.memory_space<hbm>> -> memref<10000x128xf32, #tpu.memory_space<hbm>>
      %dma_wait3A_99 = arith.constant 0 : i32
      %dma_wait3A_100 = tpu.memref_slice %dma_wait3A_98[%mul3A_80, %dma_wait3A_99] : memref<10000x128xf32, #tpu.memory_space<hbm>> -> memref<624x128xf32, #tpu.memory_space<hbm>>
      %dma_wait3A_101 = arith.constant 0 : i32
      %dma_wait3A_102 = tpu.memref_slice %arg9[%mul3A_78, %dma_wait3A_101] : memref<10000x128xf32, #tpu.memory_space<vmem_shared>> -> memref<624x128xf32, #tpu.memory_space<vmem_shared>>
      tpu.wait_dma2 semaphore(%run_scoped3A_86 : memref<!tpu.dma_semaphore, #tpu.memory_space<semaphore_mem>>) src(%dma_wait3A_102 : memref<624x128xf32, #tpu.memory_space<vmem_shared>>) dst(%dma_wait3A_100 : memref<624x128xf32, #tpu.memory_space<hbm>>)
      tpu.yield
    }) : () -> ()
    %eq3A_81 = arith.constant 15 : i32
    %eq3A_82 = arith.cmpi eq, %arg1, %eq3A_81 : i32
    %convert_element_type3A_83 = arith.extui %eq3A_82 : i1 to i32
    %cond3A_84 = arith.constant 0 : i32
    %cond3A_85 = arith.cmpi ne, %convert_element_type3A_83, %cond3A_84 : i32
    scf.if %cond3A_85 {
      "tpu.region"() ({
        %run_scoped3A_86 = tpu.sem_alloc : memref<!tpu.dma_semaphore, #tpu.memory_space<semaphore_mem>>
        %dma_start3A_87 = arith.constant 0 : i32
        %dma_start3A_88 = arith.constant 0 : i32
        %dma_start3A_89 = tpu.memref_slice %arg4[%arg0, %dma_start3A_87, %dma_start3A_88] : memref<2x10000x128xf32, #tpu.memory_space<hbm>> -> memref<1x10000x128xf32, #tpu.memory_space<hbm>>
        %dma_start3A_90 = tpu.memref_squeeze %dma_start3A_89 : memref<1x10000x128xf32, #tpu.memory_space<hbm>> -> memref<10000x128xf32, #tpu.memory_space<hbm>>
        %dma_start3A_91 = arith.constant 9984 : i32
        %dma_start3A_92 = arith.constant 0 : i32
        %dma_start3A_93 = tpu.memref_slice %dma_start3A_90[%dma_start3A_91, %dma_start3A_92] : memref<10000x128xf32, #tpu.memory_space<hbm>> -> memref<16x128xf32, #tpu.memory_space<hbm>>
        %dma_start3A_94 = arith.constant 9984 : i32
        %dma_start3A_95 = arith.constant 0 : i32
        %dma_start3A_96 = tpu.memref_slice %arg9[%dma_start3A_94, %dma_start3A_95] : memref<10000x128xf32, #tpu.memory_space<vmem_shared>> -> memref<16x128xf32, #tpu.memory_space<vmem_shared>>
        tpu.enqueue_dma source(%dma_start3A_96 : memref<16x128xf32, #tpu.memory_space<vmem_shared>>) target(%dma_start3A_93 : memref<16x128xf32, #tpu.memory_space<hbm>>) target_semaphore(%run_scoped3A_86 : memref<!tpu.dma_semaphore, #tpu.memory_space<semaphore_mem>>)
        %dma_wait3A_97 = arith.constant 0 : i32
        %dma_wait3A_98 = arith.constant 0 : i32
        %dma_wait3A_99 = tpu.memref_slice %arg4[%arg0, %dma_wait3A_97, %dma_wait3A_98] : memref<2x10000x128xf32, #tpu.memory_space<hbm>> -> memref<1x10000x128xf32, #tpu.memory_space<hbm>>
        %dma_wait3A_100 = tpu.memref_squeeze %dma_wait3A_99 : memref<1x10000x128xf32, #tpu.memory_space<hbm>> -> memref<10000x128xf32, #tpu.memory_space<hbm>>
        %dma_wait3A_101 = arith.constant 9984 : i32
        %dma_wait3A_102 = arith.constant 0 : i32
        %dma_wait3A_103 = tpu.memref_slice %dma_wait3A_100[%dma_wait3A_101, %dma_wait3A_102] : memref<10000x128xf32, #tpu.memory_space<hbm>> -> memref<16x128xf32, #tpu.memory_space<hbm>>
        %dma_wait3A_104 = arith.constant 9984 : i32
        %dma_wait3A_105 = arith.constant 0 : i32
        %dma_wait3A_106 = tpu.memref_slice %arg9[%dma_wait3A_104, %dma_wait3A_105] : memref<10000x128xf32, #tpu.memory_space<vmem_shared>> -> memref<16x128xf32, #tpu.memory_space<vmem_shared>>
        tpu.wait_dma2 semaphore(%run_scoped3A_86 : memref<!tpu.dma_semaphore, #tpu.memory_space<semaphore_mem>>) src(%dma_wait3A_106 : memref<16x128xf32, #tpu.memory_space<vmem_shared>>) dst(%dma_wait3A_103 : memref<16x128xf32, #tpu.memory_space<hbm>>)
        tpu.yield
      }) : () -> ()
    } else {
    }
    return
  }
}

module attributes {stable_mosaic.version = 14 : i64} {
  func.func @_mlp_body(%arg0: memref<10000x128xf32, #tpu.memory_space<vmem>>, %arg1: memref<2x10000x128xf32, #tpu.memory_space<vmem>>, %arg2: memref<128x128xf32, #tpu.memory_space<vmem>>, %arg3: memref<1x128xf32, #tpu.memory_space<vmem>>, %arg4: memref<1x128xf32, #tpu.memory_space<vmem>>, %arg5: memref<1x128xf32, #tpu.memory_space<vmem>>, %arg6: memref<128x128xf32, #tpu.memory_space<vmem>>, %arg7: memref<1x128xf32, #tpu.memory_space<vmem>>, %arg8: memref<10000x128xf32, #tpu.memory_space<vmem>>) attributes {dimension_semantics = [], scalar_prefetch = 0 : i64, scratch_operands = 0 : i64, tpu.core_type = #tpu.core_type<tc>} {
    %get3A = arith.constant 0 : index
    %get3A_0 = arith.constant 0 : index
    %get3A_1 = arith.constant 0 : index
    %get3A_2 = vector.load %arg1[%get3A, %get3A_0, %get3A_1] : memref<2x10000x128xf32, #tpu.memory_space<vmem>>, vector<1x10000x128xf32>
    %get3A_3 = vector.shape_cast %get3A_2 : vector<1x10000x128xf32> to vector<10000x128xf32>
    %get3A_4 = arith.constant 1 : index
    %get3A_5 = arith.constant 0 : index
    %get3A_6 = arith.constant 0 : index
    %get3A_7 = vector.load %arg1[%get3A_4, %get3A_5, %get3A_6] : memref<2x10000x128xf32, #tpu.memory_space<vmem>>, vector<1x10000x128xf32>
    %get3A_8 = vector.shape_cast %get3A_7 : vector<1x10000x128xf32> to vector<10000x128xf32>
    %add3A = arith.addf %get3A_3, %get3A_8 : vector<10000x128xf32>
    %get3A_9 = arith.constant 0 : index
    %get3A_10 = arith.constant 0 : index
    %get3A_11 = vector.load %arg0[%get3A_9, %get3A_10] : memref<10000x128xf32, #tpu.memory_space<vmem>>, vector<10000x128xf32>
    %sub3A = arith.subf %add3A, %get3A_11 : vector<10000x128xf32>
    %get3A_12 = arith.constant 0 : index
    %get3A_13 = arith.constant 0 : index
    %get3A_14 = vector.load %arg2[%get3A_12, %get3A_13] : memref<128x128xf32, #tpu.memory_space<vmem>>, vector<128x128xf32>
    %dot_general3A = arith.constant dense<0.000000e+00> : vector<10000x128xf32>
    %dot_general3A_15 = tpu.matmul %sub3A, %get3A_14, %dot_general3A {dimension_numbers = #tpu.dot_dimension_numbers<[1], [1], [0], [0], [0, 0, 1, 0], [], []>, transpose_lhs_hint = false} : vector<10000x128xf32>, vector<128x128xf32>, vector<10000x128xf32> -> vector<10000x128xf32>
    %get3A_16 = arith.constant 0 : index
    %get3A_17 = arith.constant 0 : index
    %get3A_18 = vector.load %arg3[%get3A_16, %get3A_17] : memref<1x128xf32, #tpu.memory_space<vmem>>, vector<1x128xf32>
    %add3A_19 = vector.broadcast %get3A_18 : vector<1x128xf32> to vector<10000x128xf32>
    %add3A_20 = arith.addf %dot_general3A_15, %add3A_19 : vector<10000x128xf32>
    %reduce_sum3A = arith.constant dense<0.000000e+00> : vector<128xf32>
    %reduce_sum3A_21 = vector.multi_reduction <add>, %add3A_20, %reduce_sum3A [0] : vector<10000x128xf32> to vector<128xf32>
    %broadcast_in_dim3A = vector.shape_cast %reduce_sum3A_21 : vector<128xf32> to vector<1x128xf32>
    %div3A = arith.constant 1.000000e+04 : f32
    %div3A_22 = vector.broadcast %div3A : f32 to vector<1x128xf32>
    %div3A_23 = arith.divf %broadcast_in_dim3A, %div3A_22 : vector<1x128xf32>
    %sub3A_24 = vector.broadcast %div3A_23 : vector<1x128xf32> to vector<10000x128xf32>
    %sub3A_25 = arith.subf %add3A_20, %sub3A_24 : vector<10000x128xf32>
    %mul3A = arith.mulf %sub3A_25, %sub3A_25 : vector<10000x128xf32>
    %reduce_sum3A_26 = arith.constant dense<0.000000e+00> : vector<128xf32>
    %reduce_sum3A_27 = vector.multi_reduction <add>, %mul3A, %reduce_sum3A_26 [0] : vector<10000x128xf32> to vector<128xf32>
    %broadcast_in_dim3A_28 = vector.shape_cast %reduce_sum3A_27 : vector<128xf32> to vector<1x128xf32>
    %div3A_29 = arith.constant 1.000000e+04 : f32
    %div3A_30 = vector.broadcast %div3A_29 : f32 to vector<1x128xf32>
    %div3A_31 = arith.divf %broadcast_in_dim3A_28, %div3A_30 : vector<1x128xf32>
    %get3A_32 = arith.constant 0 : index
    %get3A_33 = arith.constant 0 : index
    %get3A_34 = vector.load %arg4[%get3A_32, %get3A_33] : memref<1x128xf32, #tpu.memory_space<vmem>>, vector<1x128xf32>
    %mul3A_35 = vector.broadcast %get3A_34 : vector<1x128xf32> to vector<10000x128xf32>
    %mul3A_36 = arith.mulf %mul3A_35, %sub3A_25 : vector<10000x128xf32>
    %add3A_37 = arith.constant 9.99999974E-6 : f32
    %add3A_38 = vector.broadcast %add3A_37 : f32 to vector<1x128xf32>
    %add3A_39 = arith.addf %div3A_31, %add3A_38 : vector<1x128xf32>
    %rsqrt3A = math.rsqrt %add3A_39 : vector<1x128xf32>
    %mul3A_40 = vector.broadcast %rsqrt3A : vector<1x128xf32> to vector<10000x128xf32>
    %mul3A_41 = arith.mulf %mul3A_36, %mul3A_40 : vector<10000x128xf32>
    %get3A_42 = arith.constant 0 : index
    %get3A_43 = arith.constant 0 : index
    %get3A_44 = vector.load %arg5[%get3A_42, %get3A_43] : memref<1x128xf32, #tpu.memory_space<vmem>>, vector<1x128xf32>
    %add3A_45 = vector.broadcast %get3A_44 : vector<1x128xf32> to vector<10000x128xf32>
    %add3A_46 = arith.addf %mul3A_41, %add3A_45 : vector<10000x128xf32>
    %max3A = arith.constant 0.000000e+00 : f32
    %max3A_47 = vector.broadcast %max3A : f32 to vector<10000x128xf32>
    %max3A_48 = arith.maximumf %add3A_46, %max3A_47 : vector<10000x128xf32>
    %get3A_49 = arith.constant 0 : index
    %get3A_50 = arith.constant 0 : index
    %get3A_51 = vector.load %arg6[%get3A_49, %get3A_50] : memref<128x128xf32, #tpu.memory_space<vmem>>, vector<128x128xf32>
    %dot_general3A_52 = arith.constant dense<0.000000e+00> : vector<10000x128xf32>
    %dot_general3A_53 = tpu.matmul %max3A_48, %get3A_51, %dot_general3A_52 {dimension_numbers = #tpu.dot_dimension_numbers<[1], [1], [0], [0], [0, 0, 1, 0], [], []>, transpose_lhs_hint = false} : vector<10000x128xf32>, vector<128x128xf32>, vector<10000x128xf32> -> vector<10000x128xf32>
    %get3A_54 = arith.constant 0 : index
    %get3A_55 = arith.constant 0 : index
    %get3A_56 = vector.load %arg7[%get3A_54, %get3A_55] : memref<1x128xf32, #tpu.memory_space<vmem>>, vector<1x128xf32>
    %add3A_57 = vector.broadcast %get3A_56 : vector<1x128xf32> to vector<10000x128xf32>
    %add3A_58 = arith.addf %dot_general3A_53, %add3A_57 : vector<10000x128xf32>
    %swap3A = arith.constant 0 : index
    %swap3A_59 = arith.constant 0 : index
    %swap3A_60 = vector.load %arg8[%swap3A, %swap3A_59] : memref<10000x128xf32, #tpu.memory_space<vmem>>, vector<10000x128xf32>
    tpu.vector_store %arg8[%swap3A, %swap3A_59], %add3A_58 {strides = array<i32>} : memref<10000x128xf32, #tpu.memory_space<vmem>>, vector<10000x128xf32>,
    return
  }
}

</mosaic_0001>

<sc_bundles>
// kernel: kernel.4.cloned.1.call-start
scs
__scs_entry_jumppad:
0x0: {  	(pc) =	sbr.rel $0x88, $3  }
0x1: {  	(tag) =	ssettag $0x0;
	lr =	simm.s32 $0x1  }
0x2: {  	[smem:$0x3F99] =	sst lr;
	_ =	strace $0xD0000000  }
0x3: {  	_ = 	snop  }
0x4: {  	_ = 	snop  }
0x5: {  	_ = 	snop  }
0x6: {  	_ = 	snop  }
0x7: {  	_ = 	snop  }
__scs_overlays_trampoline_lowered:
0x8: {  	[smem:$0x3FA8] =	sst s0  }
0x9: {  	[smem:$0x3FA9] =	sst s1  }
0xa: {  	[smem:$0x3FAA] =	sst s2  }
0xb: {  	[smem:$0x3FAB] =	sst s3  }
0xc: {  	[smem:$0x3FAC] =	sst s4  }
0xd: {  	[smem:$0x3FAD] =	sst s5  }
0xe: {  	[smem:$0x3FAE] =	sst s6  }
0xf: {  	[smem:$0x3FAF] =	sst s7  }
0x10: {  	[smem:$0x3FB0] =	sst s8  }
0x11: {  	[smem:$0x3FB1] =	sst s9;
	s0 =	simm.s32 @!p0 $0x0  }
0x12: {  	s1 =	sld [smem:$0x3F97];
	s0 =	simm.s32 @p0 $0x1  }
0x13: {  	[smem:$0x3FB2] =	sst s0;
	s0 =	simm.s32 @!p1 $0x0  }
0x14: {  	s2 =	sld [smem:$0x3F96];
	s0 =	simm.s32 @p1 $0x1  }
0x15: {  	[smem:$0x3FB3] =	sst s0;
	s0 =	simm.s32 @!p2 $0x0  }
0x16: {  	s3 =	sld [smem:$0x3FDB];
	s0 =	simm.s32 @p2 $0x1  }
0x17: {  	s4 =	simm.s32 $0x1BF5;
	[smem:$0x3FB5] =	sst s0  }
0x18: {  	s0 =	sld [smem:$0x3F98];
	_ =	swait.ge [sflag:s4], $0x0  }
0x19: {  	s7 =	sld [smem:$0x3F99]  }
0x1a: {  	s8 =	sadd.s32 $0xFFFFE003, lr  }
0x1b: {  	s9 =	sadd.s32 $0xFFFFFEF7, lr;
	s5 =	simm.s32 $0xFFFFFFFF;
	p2 =	slt.u32 s8, $0xFFFFF086  }
0x1c: {  	p1 =	slt.u32 s9, $0xF7A;
	s5 =	simm.s32 @!p2 $0x0  }
0x1d: {  	s5 =	simm.s32 @p1 $0x1;
	p0 =	seq.s32 s7, s2  }
0x1e: {  	s7 =	smul.u32 @!p0 $0xF7A, s2;
	p2 =	seq.s32 @!p0 s5, $0x0  }
0x1f: {  	s9 =	smul.u32 $0xF7A, s1;
	s8 =	simm.s32 @!p0 $0x1BF5;
	p2 =	por !p2, p0  }
0x20: {  	[sflag:s8] =	ssyncset.s32 @!p0 $0xFFFFF086;
	s6 =	sadd.s32 @!p0 s3, s7;
	s7 =	simm.s32 @!p0 $0x108  }
0x21: {  	s3 =	sadd.s32 s3, s9;
	s6 =	sadd.s32 @!p0 $0x88, s6;
	s7 =	simm.s32 @p2 $0x1082  }
0x22: {  	[simem:s7], [sflag:s8] =	dma.local @!p0 [hbm:s6], $0xF7A  }
0x23: {  	s9 =	sor.u32 $0xD0000000, s2;
	s6 =	simm.s32 $0x108;
	_ =	swait.ge @!p0 [sflag:s8], $0x0  }
0x24: {  	s3 =	sadd.s32 $0x88, s3;
	s6 =	simm.s32 @!p1 $0x1082;
	[sflag:s4] =	ssyncset.s32 $0xFFFFF086  }
0x25: {  	[simem:s6], [sflag:s4] =	dma.local [hbm:s3], $0xF7A  }
0x26: {  	[smem:$0x3F99] =	sst s1;
	(tag) =	ssettag s2;
	_ =	strace s9  }
0x27: {  	s1 =	sld [smem:$0x3FA9]  }
0x28: {  	s2 =	sld [smem:$0x3FAA]  }
0x29: {  	s4 =	sld [smem:$0x3FAC]  }
0x2a: {  	p0 =	seq.s32 s5, $0x0;
	s5 =	sld [smem:$0x3FAD]  }
0x2b: {  	s6 =	sld [smem:$0x3FAE]  }
0x2c: {  	s7 =	sld [smem:$0x3FAF]  }
0x2d: {  	s3 =	simm.s32 $0x108;
	s8 =	sld [smem:$0x3FB0]  }
0x2e: {  	s3 =	simm.s32 @!p0 $0x1082;
	s9 =	sld [smem:$0x3FB1]  }
0x2f: {  	lr =	sadd.s32 s0, s3;
	s0 =	sld [smem:$0x3FA8]  }
0x30: {  	s3 =	sld [smem:$0x3FAB]  }
0x31: {  	[smem:$0x3FB4] =	sst s10  }
0x32: {  	s10 =	sld [smem:$0x3FB2];
	_ =	sdelay $0x3  }
0x33: {  	p0 =	seq.s32 s10, $0x1;
	s10 =	sld [smem:$0x3FB4];
	_ =	sdelay $0x3  }
0x34: {  	[smem:$0x3FB4] =	sst s10  }
0x35: {  	s10 =	sld [smem:$0x3FB3];
	_ =	sdelay $0x3  }
0x36: {  	p1 =	seq.s32 s10, $0x1;
	s10 =	sld [smem:$0x3FB4];
	_ =	sdelay $0x3  }
0x37: {  	[smem:$0x3FB4] =	sst s10  }
0x38: {  	s10 =	sld [smem:$0x3FB5]  }
0x39: {  	_ = 	snop;
	(pc) =	sbr.ind lr, $3  }
0x3a: {  	_ = 	snop  }
0x3b: {  	_ = 	snop  }
0x3c: {  	p2 =	seq.s32 s10, $0x1;
	s10 =	sld [smem:$0x3FB4]  }
0x3d: {  	_ =	shalt  }
0x3e: {  	_ =	shalt  }
0x3f: {  	_ =	shalt  }
0x40: {  	_ =	shalt  }
0x41: {  	_ =	shalt  }
0x42: {  	_ =	shalt  }
0x43: {  	_ =	shalt  }
0x44: {  	_ =	shalt  }
0x45: {  	_ =	shalt  }
0x46: {  	_ =	shalt  }
0x47: {  	_ =	shalt  }
0x48: {  	_ =	shalt  }
0x49: {  	_ =	shalt  }
0x4a: {  	_ =	shalt  }
0x4b: {  	_ =	shalt  }
0x4c: {  	_ =	shalt  }
0x4d: {  	_ =	shalt  }
0x4e: {  	_ =	shalt  }
0x4f: {  	_ =	shalt  }
0x50: {  	_ =	shalt  }
0x51: {  	_ =	shalt  }
0x52: {  	_ =	shalt  }
0x53: {  	_ =	shalt  }
0x54: {  	_ =	shalt  }
0x55: {  	_ =	shalt  }
0x56: {  	_ =	shalt  }
0x57: {  	_ =	shalt  }
0x58: {  	_ =	shalt  }
0x59: {  	_ =	shalt  }
0x5a: {  	_ =	shalt  }
0x5b: {  	_ =	shalt  }
0x5c: {  	_ =	shalt  }
0x5d: {  	_ =	shalt  }
0x5e: {  	_ =	shalt  }
0x5f: {  	_ =	shalt  }
0x60: {  	_ =	shalt  }
0x61: {  	_ =	shalt  }
0x62: {  	_ =	shalt  }
0x63: {  	_ =	shalt  }
0x64: {  	_ =	shalt  }
0x65: {  	_ =	shalt  }
0x66: {  	_ =	shalt  }
0x67: {  	_ =	shalt  }
0x68: {  	_ =	shalt  }
0x69: {  	_ =	shalt  }
0x6a: {  	_ =	shalt  }
0x6b: {  	_ =	shalt  }
0x6c: {  	_ =	shalt  }
0x6d: {  	_ =	shalt  }
0x6e: {  	_ =	shalt  }
0x6f: {  	_ =	shalt  }
0x70: {  	_ =	shalt  }
0x71: {  	_ =	shalt  }
0x72: {  	_ =	shalt  }
0x73: {  	_ =	shalt  }
0x74: {  	_ =	shalt  }
0x75: {  	_ =	shalt  }
0x76: {  	_ =	shalt  }
0x77: {  	_ =	shalt  }
0x78: {  	_ =	shalt  }
0x79: {  	_ =	shalt  }
0x7a: {  	_ =	shalt  }
0x7b: {  	_ =	shalt  }
0x7c: {  	_ =	shalt  }
0x7d: {  	_ =	shalt  }
0x7e: {  	_ =	shalt  }
0x7f: {  	_ =	shalt  }
0x80: {  	_ =	shalt  }
0x81: {  	_ =	shalt  }
0x82: {  	_ =	shalt  }
0x83: {  	_ =	shalt  }
0x84: {  	_ =	shalt  }
0x85: {  	_ =	shalt  }
0x86: {  	_ =	shalt  }
0x87: {  	_ =	shalt  }
.Lfunc_end0:
.L_simem_size_0:
called_computation_lowered:
.L_overlay_start_0:
0x88: {  	s2 =	sld [smem:$0x3FD9]  }
0x89: {  	s3 =	sld [smem:$0x3FFE];
	_ =	sdelay $0x1  }
0x8a: {  	s1 =	srdreg.scid  }
0x8b: {  	s0 =	sand.u32 $0x1, s1  }
0x8c: {  	s17 =	sshll.u32 s0, $0xA;
	s2 =	sadd.s32 s3, s2  }
0x8d: {  	s2 =	sadd.s32 s2, s17  }
0x8e: {  	[smem:$0x3FC0] =	sst s2  }
0x8f: {  	_ = 	snop  }
0x90: {  	s2 =	sld [smem:$0x3FC9]  }
0x91: {  	s18 =	sld [smem:$0x3FD0];
	(tm) =	ssettm $0x1  }
0x92: {  	s4 =	sld [smem:$0x3FFB];
	_ =	sdelay $0x3  }
0x93: {  	_ =	strace s4  }
0x94: {  	s4 =	sld [smem:$0x3FFC];
	_ =	sdelay $0x3  }
0x95: {  	_ =	strace s4  }
0x96: {  	s4 =	sld [smem:$0x3FFD];
	_ =	sdelay $0x3  }
0x97: {  	_ =	strace s4  }
0x98: {  	_ =	strace $0x8FFFFFFF  }
0x99: {  	s19 =	sld [smem:$0x3FDB];
	_ =	sdelay $0x1  }
0x9a: {  	s5 =	simm.s32 $_scs_section_size  }
0x9b: {  	s6 =	simm.s32 $_size__tile_overlayer_lowered;
	s7 =	simm.s32 $_tile_overlayer_lowered  }
0x9c: {  	s22 =	simm.s32 $0x1BFF;
	s21 =	sshll.u32 s7, $0x1;
	s4 =	sadd.s32 s5, s19  }
0x9d: {  	s8 =	simm.s32 $0x0;
	s20 =	sshll.u32 s6, $0x1;
	s6 =	sadd.s32 s21, s4  }
0x9e: {  	[timem:s8], [sflag:s22] =	dma.local [hbm:s6], s20  }
0x9f: {  	_ =	swait.ge [sflag:s22], s20  }
0xa0: {  	s5 =	ssub.s32 $0x0, s20;
	[sflag:s22] =	ssyncset.done $0x0  }
0xa1: {  	[sflag:s22] =	ssyncadd.s32 s5;
	_ =	sdelay $0x1  }
0xa2: {  	s23 =	simm.s32 $0x1B8B  }
0xa3: {  	_ =	swait.ge [sflag:s23], $0x1  }
0xa4: {  	[sflag:s23] =	ssyncset.done $0x0  }
0xa5: {  	s25 =	simm.s32 $0x1B8E;
	s24 =	sld [smem:$0x3FFE];
	[sflag:s23] =	ssyncadd.s32 $0xFFFFFFFF  }
0xa6: {  	s26 =	simm.s32 $execute0_lowered;
	[smem:$0x3FD2] =	sst s25  }
0xa7: {  	s6 =	sshll.u32 s26, $0x1;
	_ =	strace $0x80000046;
	[dreg:$0x1] =	wrdreg $0xFFFFFFFF  }
0xa8: {  	s28 =	simm.s32 $_size_execute0_lowered;
	s4 =	sadd.s32 s4, s6;
	[dreg:$0x0] =	wrdreg $0x0  }
0xa9: {  	s6 =	sshll.u32 s28, $0x1;
	[dreg:$0x2] =	wrdreg s4  }
0xaa: {  	[dreg:$0x3] =	wrdreg s6  }
0xab: {  	[dreg:$0x4] =	wrdreg $0xC0  }
0xac: {  	_ =	task [dreg:s8], $0x5FFFF  }
0xad: {  	[dreg:$0x1] =	wrdreg $0xFFFFFFFF  }
0xae: {  	[dreg:$0x0] =	wrdreg $0x60  }
0xaf: {  	[dreg:$0x2] =	wrdreg s2  }
0xb0: {  	[dreg:$0x3] =	wrdreg s18  }
0xb1: {  	[dreg:$0x4] =	wrdreg s24  }
0xb2: {  	[dreg:$0x5] =	wrdreg $0x82000  }
0xb3: {  	[dreg:$0x6] =	wrdreg $0x9  }
0xb4: {  	_ =	task.clear_ibuf [dreg:s8], $0x7FFFF;
	_ =	strace $0x90000046  }
0xb5: {  	s29 =	simm.s32 $0x9;
	_ =	strace $0x80000048  }
0xb6: {  	_ =	swait.ge [sflag:s29], $0x1  }
0xb7: {  	[sflag:s29] =	ssyncadd.s32 $0xFFFFFFFF  }
0xb8: {  	_ =	strace $0x90000048  }
0xb9: {  	_ =	sfence  }
0xba: {  	s30 =	sld [smem:$0x0];
	_ =	sdelay $0x2  }
0xbb: {  	s31 =	sshll.u32 s1, $0xD;
	s1 =	sshrl.u32 s1, $0x2  }
0xbc: {  	s3 =	sand.u32 $0x4000, s31;
	s1 =	sadd.s32 s1, s30  }
0xbd: {  	s0 =	sor.u32 s3, s0;
	s1 =	sshll.u32 s1, $0x11  }
0xbe: {  	s0 =	sor.u32 s1, s0  }
0xbf: {  	s0 =	sadd.s32 $0x8F2B, s0  }
0xc0: {  	[sflag:s0] =	ssyncadd.remote.s32 $0x1  }
0xc1: {  	_ =	sfence.sel $0xFFFF  }
0xc2: {  	[dreg:$0x0] =	wrdreg $0xFFFFFFFF;
	(pc) =	sbr.abs _section_cstart, $3  }
0xc3: {  	[dreg:$0x1] =	wrdreg $0xFFFFFFFF  }
0xc4: {  	_ =	task.clear_ibuf [dreg:s8], $0x2FFFF;
	_ =	strace $0x9FFFFFFF  }
0xc5: {  	(tm) =	ssettm $0x7FFFFFFF  }
tec
execute0_lowered:
.L_overlay_start_1:
0x0: {  	(tag) =	ssettag $0x1  }
0x1: {  	s1 =	rddreg [dreg:$0x0]  }
0x2: {  	s14 =	rddreg [dreg:$0x1]  }
0x3: {  	s5 =	rddreg [dreg:$0x2]  }
0x4: {  	s2 =	rddreg [dreg:$0x3];
	s4 =	srdreg.scid  }
0x5: {  	s3 =	simm.s32 $0x0;
	s19 =	simm.s32 $0x100;
	s20 =	simm.s32 $0x7D  }
0x6: {  	s21 =	simm.s32 $0x200;
	s22 =	simm.s32 $0x3;
	s23 =	simm.s32 $0x2  }
0x7: {  	s24 =	simm.s32 $0x4200;
	s28 =	simm.s32 $0x180;
	s7 =	sand.u32 $0x1, s4  }
0x8: {  	s29 =	simm.s32 $0x0;
	s4 =	stileid.u32;
	s6 =	smul.u32 $0x27100, s7  }
0x9: {  	[smem:$0x7FF] =	sst s3;
	s17 =	sadd.s32 $0x138000, s2;
	s26 =	smul.u32 $0x4E000, s4  }
0xa: {  	_ =	strace $0x80000047;
	s25 =	sshll.u32 s4, $0x1;
	s30 =	smul.u32 $0xA000, s4  }
0xb: {  	s8 =	ssub.s32 $0x2, s7;
	s31 =	sshll.u32 s4, $0x6;
	s13 =	smul.u32 $0x5000, s7  }
0xc: {  	p0 =	sne.s32 s4, $0xF;
	s9 =	sor.u32 s7, s25;
	s10 =	sshrl.u32 s8, $0x1  }
0xd: {  	s7 =	sor.u32 $0x1C05, s31;
	s17 =	sshrl.u32 @!p0 s17, $0x3;
	s25 =	simm.s32 $0x80  }
0xe: {  	s11 =	sadd.s32 s6, s5;
	s5 =	smul.u32 $0x2700, s4;
	s6 =	sshrl.u32 s26, $0x2  }
0xf: {  	s9 =	smul.u32 $0x5000, s9;
	s12 =	ssub.s32 s8, s10;
	s8 =	sadd.s32 $0x27000, s1  }
0x10: {  	s13 =	sadd.s32 s13, s30;
	s26 =	simm.s32 $0x4;
	s15 =	sadd.s32 s6, s2  }
0x11: {  	s16 =	sor.u32 $0x300, s13;
	s13 =	sor.u32 $0x200, s13;
	s11 =	sadd.s32 $0x1200, s11  }
0x12: {  	s12 =	smax.u32 s12, $0x1;
	s6 =	sadd.s32 s1, s5;
	s9 =	sshrl.u32 s9, $0x3  }
0x13: {  	s16 =	sshrl.u32 s16, $0x3;
	s18 =	sshrl.u32 s13, $0x3;
	s15 =	sshrl.u32 s15, $0x3  }
0x14: {  	s9 =	sadd.s32 s14, s9;
	s13 =	sadd.s32 s16, s14;
	s14 =	sadd.s32 s18, s14  }
0x15: {  	s16 =	simm.s32 $0x5;
	s18 =	simm.s32 $0x1;
	s10 =	sadd.s32 $0x20, s9  }
.LBB2_1:
0x16: {  	[spmem:s15], [sflag:s7] =	dma.local [hbm:s6], $0x2700  }
0x17: {  	_ =	swait.ge [sflag:s16], $0x2700  }
0x18: {  	[sflag:s16] =	ssyncset.done $0x0  }
0x19: {  	s30 =	simm.s32 @!p0 $0x5;
	[sflag:s16] =	ssyncadd.s32 $0xFFFFD900  }
0x1a: {  	[spmem:s17], [sflag:s7] =	dma.local @!p0 [hbm:s8], $0x100  }
0x1b: {  	_ =	swait.ge @!p0 [sflag:s30], $0x100  }
0x1c: {  	[sflag:s30] =	ssyncset.done @!p0 $0x0  }
0x1d: {  	[sflag:s30] =	ssyncadd.s32 @!p0 $0xFFFFFF00  }
0x1e: {  	[bflag:$0x0] =	sbarrier.arrive $0xFFFF  }
0x1f: {  	[tilespmem:s3], [sflag:$0x1] =	stream.linear.gather [hbm4b:s9+s3], $0x100, $0x38;
	[tilespmem:$0x1BA80] =	vst v63  }
0x20: {  	_ =	swait.ge [sflag:s18], $0x100  }
0x21: {  	[sflag:s18] =	ssyncset.done $0x0  }
0x22: {  	[sflag:s18] =	ssyncadd.s32 $0xFFFFFF00  }
0x23: {  	[tilespmem:s19], [sflag:$0x2] =	stream.linear.gather [hbm4b:s10+s3], $0x100, $0x38;
	[tilespmem:$0x1BA80] =	vst v63  }
0x24: {  	_ = 	snop  }
0x25: {  	[tilespmem:s21], [sflag:$0x3] =	stream.indirect.gather [hbm4b:s1+s20], $0x80, s3, s20, $0xb8;
	[tilespmem:$0x1BA80] =	vst v63  }
0x26: {  	_ =	swait.ge [sflag:s22], $0x3E80  }
0x27: {  	[sflag:s22] =	ssyncset.done $0x0  }
0x28: {  	[sflag:s22] =	ssyncadd.s32 $0xFFFFC180  }
0x29: {  	_ =	swait.ge [sflag:s23], $0x100  }
0x2a: {  	[sflag:s23] =	ssyncset.done $0x0  }
0x2b: {  	[sflag:s23] =	ssyncadd.s32 $0xFFFFFF00  }
0x2c: {  	[tilespmem:s24], [sflag:$0x4] =	stream.indirect.gather [hbm4b:s1+s20], $0x80, s19, s20, $0xb8;
	[tilespmem:$0x1BA80] =	vst v63  }
0x2d: {  	_ = 	snop  }
0x2e: {  	[spmem:s2] =	stream.indirect.scatter.add.f32 [tilespmem:s21], [sflag:$0x5], $0x80, s25, s20, $0xb8;
	[tilespmem:$0x1BA80] =	vst v63  }
0x2f: {  	_ =	swait.ge [sflag:s16], $0x3E80  }
0x30: {  	[sflag:s16] =	ssyncset.done $0x0  }
0x31: {  	s30 =	sadd.s32 $0x0, s14;
	[sflag:s16] =	ssyncadd.s32 $0xFFFFC180  }
0x32: {  	[tilespmem:s3], [sflag:$0x1] =	stream.linear.gather [hbm4b:s30+s3], $0x100, $0x38;
	[tilespmem:$0x1BA80] =	vst v63  }
0x33: {  	_ =	swait.ge [sflag:s26], $0x3E80  }
0x34: {  	[sflag:s26] =	ssyncset.done $0x0  }
0x35: {  	[sflag:s26] =	ssyncadd.s32 $0xFFFFC180  }
0x36: {  	_ =	swait.ge [sflag:s18], $0x100  }
0x37: {  	[sflag:s18] =	ssyncset.done $0x0  }
0x38: {  	[sflag:s18] =	ssyncadd.s32 $0xFFFFFF00  }
0x39: {  	[tilespmem:s21], [sflag:$0x3] =	stream.indirect.gather [hbm4b:s1+s20], $0x80, s3, s20, $0xb8;
	[tilespmem:$0x1BA80] =	vst v63  }
0x3a: {  	_ = 	snop  }
0x3b: {  	[spmem:s2] =	stream.indirect.scatter.add.f32 [tilespmem:s24], [sflag:$0x5], $0x80, s28, s20, $0xb8;
	[tilespmem:$0x1BA80] =	vst v63  }
0x3c: {  	_ =	swait.ge [sflag:s16], $0x3E80  }
0x3d: {  	[sflag:s16] =	ssyncset.done $0x0  }
0x3e: {  	s31 =	sadd.s32 $0x0, s13;
	s30 =	simm.s32 $0x40;
	[sflag:s16] =	ssyncadd.s32 $0xFFFFC180  }
.LBB2_2:
0x3f: {  	[tilespmem:s19], [sflag:$0x2] =	stream.linear.gather [hbm4b:s31+s3], $0x100, $0x38;
	[tilespmem:$0x1BA80] =	vst v63  }
0x40: {  	s31 =	smov.u32 s30  }
0x41: {  	p1 =	sne.s32 s30, $0x980;
	s30 =	sadd.s32 $0x40, s30;
	_ =	swait.ge [sflag:s22], $0x3E80  }
0x42: {  	[sflag:s22] =	ssyncset.done $0x0  }
0x43: {  	[sflag:s22] =	ssyncadd.s32 $0xFFFFC180  }
0x44: {  	_ =	swait.ge [sflag:s23], $0x100  }
0x45: {  	[sflag:s23] =	ssyncset.done $0x0  }
0x46: {  	[sflag:s23] =	ssyncadd.s32 $0xFFFFFF00  }
0x47: {  	[tilespmem:s24], [sflag:$0x4] =	stream.indirect.gather [hbm4b:s1+s20], $0x80, s19, s20, $0xb8;
	[tilespmem:$0x1BA80] =	vst v63  }
0x48: {  	_ = 	snop  }
0x49: {  	[spmem:s2] =	stream.indirect.scatter.add.f32 [tilespmem:s21], [sflag:$0x5], $0x80, s25, s20, $0xb8;
	[tilespmem:$0x1BA80] =	vst v63  }
0x4a: {  	_ =	swait.ge [sflag:s16], $0x3E80  }
0x4b: {  	[sflag:s16] =	ssyncset.done $0x0  }
0x4c: {  	s0 =	sadd.s32 s31, s14;
	[sflag:s16] =	ssyncadd.s32 $0xFFFFC180  }
0x4d: {  	[tilespmem:s3], [sflag:$0x1] =	stream.linear.gather [hbm4b:s0+s3], $0x100, $0x38;
	[tilespmem:$0x1BA80] =	vst v63  }
0x4e: {  	_ =	swait.ge [sflag:s26], $0x3E80  }
0x4f: {  	[sflag:s26] =	ssyncset.done $0x0  }
0x50: {  	[sflag:s26] =	ssyncadd.s32 $0xFFFFC180  }
0x51: {  	_ =	swait.ge [sflag:s18], $0x100  }
0x52: {  	[sflag:s18] =	ssyncset.done $0x0  }
0x53: {  	[sflag:s18] =	ssyncadd.s32 $0xFFFFFF00  }
0x54: {  	[tilespmem:s21], [sflag:$0x3] =	stream.indirect.gather [hbm4b:s1+s20], $0x80, s3, s20, $0xb8;
	[tilespmem:$0x1BA80] =	vst v63  }
.Ltmp0:
0x55: {  	(pc) =	sbr.rel @p1 .LBB2_2-.Ltmp0, $4  }
0x56: {  	[spmem:s2] =	stream.indirect.scatter.add.f32 [tilespmem:s24], [sflag:$0x5], $0x80, s28, s20, $0xb8;
	[tilespmem:$0x1BA80] =	vst v63  }
0x57: {  	_ =	swait.ge [sflag:s16], $0x3E80  }
0x58: {  	[sflag:s16] =	ssyncset.done $0x0  }
0x59: {  	s31 =	sadd.s32 s31, s13;
	[sflag:s16] =	ssyncadd.s32 $0xFFFFC180  }
0x5a: {  	[tilespmem:s19], [sflag:$0x2] =	stream.linear.gather [hbm4b:s31+s3], $0x100, $0x38;
	[tilespmem:$0x1BA80] =	vst v63  }
0x5b: {  	_ =	swait.ge [sflag:s22], $0x3E80  }
0x5c: {  	[sflag:s22] =	ssyncset.done $0x0  }
0x5d: {  	[sflag:s22] =	ssyncadd.s32 $0xFFFFC180  }
0x5e: {  	_ =	swait.ge [sflag:s23], $0x100  }
0x5f: {  	[sflag:s23] =	ssyncset.done $0x0  }
0x60: {  	[sflag:s23] =	ssyncadd.s32 $0xFFFFFF00  }
0x61: {  	[tilespmem:s24], [sflag:$0x4] =	stream.indirect.gather [hbm4b:s1+s20], $0x80, s19, s20, $0xb8;
	[tilespmem:$0x1BA80] =	vst v63  }
0x62: {  	_ = 	snop  }
0x63: {  	[spmem:s2] =	stream.indirect.scatter.add.f32 [tilespmem:s21], [sflag:$0x5], $0x80, s25, s20, $0xb8;
	[tilespmem:$0x1BA80] =	vst v63  }
0x64: {  	_ =	swait.ge [sflag:s16], $0x3E80  }
0x65: {  	[sflag:s16] =	ssyncset.done $0x0  }
0x66: {  	[sflag:s16] =	ssyncadd.s32 $0xFFFFC180  }
0x67: {  	_ =	swait.ge [sflag:s26], $0x3E80  }
0x68: {  	[sflag:s26] =	ssyncset.done $0x0  }
0x69: {  	[sflag:s26] =	ssyncadd.s32 $0xFFFFC180  }
0x6a: {  	[spmem:s2] =	stream.indirect.scatter.add.f32 [tilespmem:s24], [sflag:$0x5], $0x80, s28, s20, $0xb8;
	[tilespmem:$0x1BA80] =	vst v63  }
0x6b: {  	_ =	swait.ge [sflag:s16], $0x3E80  }
0x6c: {  	[sflag:s16] =	ssyncset.done $0x0  }
0x6d: {  	[sflag:s16] =	ssyncadd.s32 $0xFFFFC180  }
0x6e: {  	s0 =	sadd.s32 s5, s11;
	[bflag:$0x0] =	sbarrier.arrive $0xFFFF  }
0x6f: {  	[hbm:s0], [sflag:s7] =	dma.local [spmem:s15], $0x2700  }
0x70: {  	_ =	swait.ge [sflag:s16], $0x2700  }
0x71: {  	s29 =	sadd.s32 $0x1, s29;
	[sflag:s16] =	ssyncset.done $0x0  }
0x72: {  	p1 =	sne.s32 s29, s12;
	s0 =	sadd.s32 @!p0 $0x27000, s11;
	[sflag:s16] =	ssyncadd.s32 $0xFFFFD900  }
0x73: {  	[hbm:s0], [sflag:s7] =	dma.local @!p0 [spmem:s17], $0x100  }
.Ltmp1:
0x74: {  	_ = 	snop;
	(pc) =	sbr.rel @p1 .LBB2_1-.Ltmp1, $4  }
0x75: {  	s0 =	simm.s32 @!p0 $0x5  }
0x76: {  	_ =	swait.ge @!p0 [sflag:s0], $0x100  }
0x77: {  	[sflag:s0] =	ssyncset.done @!p0 $0x0  }
0x78: {  	[sflag:s0] =	ssyncadd.s32 @!p0 $0xFFFFFF00  }
0x79: {  	_ =	sfence.sel $0x180000  }
0x7a: {  	[bflag:$0x0] =	sbarrier.arrive $0xFFFF  }
0x7b: {  	_ =	strace $0x90000047  }
0x7c: {  	[bflag:$0x2] =	sbarrier.arrive $0xFFFF  }
0x7d: {  	p0 =	sne.s32 s4, $0x0;
	s0 =	rddreg [dreg:$0x4]  }
0x7e: {  	s0 =	sadd.s32 @!p0 $0x100000, s0  }
0x7f: {  	[sflag:s0] =	ssyncadd.tile.s32 @!p0 $0x1;
	_ =	shalt  }
.Lfunc_end2:
_tile_overlayer_lowered:
.L_overlay_start_2:
0x80: {  	(tag) =	ssettag $0x2  }
0x81: {  	s0 =	rddreg [dreg:$0x0];
	s2 =	stileid.u32  }
0x82: {  	s1 =	rddreg [dreg:$0x1];
	p0 =	sne.s32 s2, $0x0  }
0x83: {  	s3 =	rddreg [dreg:$0x2];
	[bflag:$0x3] =	sbarrier.arrive $0xFFFF;
	s2 =	simm.s32 @!p0 $0x1C05  }
0x84: {  	[timem:s3], [sflag:s2] =	dma.local @!p0 [hbm:s0], s1  }
0x85: {  	s0 =	simm.s32 @!p0 $0x5  }
0x86: {  	_ =	swait.ge @!p0 [sflag:s0], s1  }
0x87: {  	s1 =	ssub.s32 @!p0 $0x0, s1;
	[sflag:s0] =	ssyncset.done @!p0 $0x0  }
0x88: {  	[sflag:s0] =	ssyncadd.s32 @!p0 s1  }
0x89: {  	[bflag:$0x3] =	sbarrier.arrive $0xFFFF  }
0x8a: {  	_ =	shalt  }

</sc_bundles>
